<compile_context>
chip_gen: v7x
topology: tpu7x:2x2x1
jax: 0.10.2.dev20260603
libtpu: 0.0.44.dev20260713+nightly
codegen_flags: <defaults>
</compile_context>

<pallas_src>
import jax
import jax.numpy as jnp
from jax import lax
from jax.experimental import pallas as pl
from jax.experimental.pallas import tpu as pltpu
from jax.experimental.pallas import tpu_sc as plsc

BATCH = 128
SEQ = 650
HIDDEN = 1024
TPF = 65
NFRAME = 10
SEQP = 656

try:
    _INFO = plsc.get_sparse_core_info()
    NC = _INFO.num_cores
    NS = _INFO.num_subcores
except ValueError:
    NC, NS = 2, 16
NW = NC * NS

G = 16
NV = (SEQ + G - 1) // G
NTASK = NV * BATCH
TPW = NTASK // NW
NVREG = HIDDEN // 16
NBUF = 2
NPAIR = TPW // 2


def _bias_add(buf, bias_flat, lv):

    def row_body(r, _):
        base = (lv * G + r) * HIDDEN
        for c in range(NVREG):
            plsc.addupdate(buf.at[r, pl.ds(c * 16, 16)],
                           bias_flat[pl.ds(base + c * 16, 16)])
        return 0

    lax.fori_loop(0, G, row_body, 0)


def _sc_body(tok_idx_hbm, out_idx_hbm, table_hbm, out_hbm,
             tok_idx, out_idx, bufs, gsems, ssems):
    w = lax.axis_index("s") * NC + lax.axis_index("c")
    t0 = w * TPW
    first = t0 // BATCH
    pltpu.sync_copy(tok_idx_hbm.at[pl.ds(t0 * G, TPW * G)], tok_idx)
    pltpu.sync_copy(out_idx_hbm.at[pl.ds(t0 * G, TPW * G)], out_idx)

    def start_gather(p, k):
        pltpu.async_copy(table_hbm.at[tok_idx.at[pl.ds(p * 2 * G, 2 * G)]],
                         bufs[k], gsems[k])

    def wait_gather(p, k):
        pltpu.make_async_copy(table_hbm.at[tok_idx.at[pl.ds(p * 2 * G, 2 * G)]],
                              bufs[k], gsems[k]).wait()

    def start_scatter(p, k):
        pltpu.async_copy(bufs[k], out_hbm.at[out_idx.at[pl.ds(p * 2 * G, 2 * G)]],
                         ssems[k])

    def wait_scatter(p, k):
        pltpu.make_async_copy(bufs[k],
                              out_hbm.at[out_idx.at[pl.ds(p * 2 * G, 2 * G)]],
                              ssems[k]).wait()

    def process(p, k):
        wait_gather(p, k)
        start_scatter(p, k)

    for k in range(NBUF):
        start_gather(k, k)

    def super_body(g, _):
        for k in range(NBUF):
            process(g * NBUF + k, k)
        for k in range(NBUF):
            p = g * NBUF + k

            @pl.when(p + NBUF < NPAIR)
            def _():
                wait_scatter(p, k)
                start_gather(p + NBUF, k)

        return 0

    lax.fori_loop(0, NPAIR // NBUF, super_body, 0)

    for p in range(NPAIR - NBUF, NPAIR):
        wait_scatter(p, p % NBUF)


def _make_kernel():
    mesh = plsc.VectorSubcoreMesh(core_axis_name="c", subcore_axis_name="s")
    return pl.kernel(
        _sc_body,
        out_type=jax.ShapeDtypeStruct((BATCH * SEQP, HIDDEN), jnp.float32),
        mesh=mesh,
        scratch_types=[
            pltpu.VMEM((TPW * G,), jnp.int32),
            pltpu.VMEM((TPW * G,), jnp.int32),
            [pltpu.VMEM((2 * G, HIDDEN), jnp.float32) for _ in range(NBUF)],
            [pltpu.SemaphoreType.DMA for _ in range(NBUF)],
            [pltpu.SemaphoreType.DMA for _ in range(NBUF)],
        ],
    )


def _tc_add_body(flat_ref, bias_ref, out_ref):
    out_ref[...] = (flat_ref[...] + bias_ref[...])[None, :SEQ]


def _make_tc_add():
    return pl.pallas_call(
        _tc_add_body,
        grid=(BATCH,),
        in_specs=[
            pl.BlockSpec((SEQP, HIDDEN), lambda b: (b, 0)),
            pl.BlockSpec((SEQP, HIDDEN), lambda b: (0, 0)),
        ],
        out_specs=pl.BlockSpec((1, SEQ, HIDDEN), lambda b: (b, 0, 0)),
        out_shape=jax.ShapeDtypeStruct((BATCH, SEQ, HIDDEN), jnp.float32),
    )


@jax.jit
def kernel(tokens, token_table, pos_table, frame_table):
    tokens = tokens.astype(jnp.int32)
    wstarts = [min(v * G, SEQ - G) for v in range(NV)]
    tok_idx = jnp.stack([tokens[:, s:s + G] for s in wstarts])
    sv = jnp.asarray(wstarts, dtype=jnp.int32)
    out_idx = (jnp.arange(BATCH, dtype=jnp.int32)[None, :, None] * SEQP
               + sv[:, None, None]
               + jnp.arange(G, dtype=jnp.int32)[None, None, :])
    combined = (jnp.tile(pos_table, (NFRAME, 1))
                + jnp.repeat(frame_table, TPF, axis=0))
    combined = jnp.concatenate(
        [combined, jnp.zeros((SEQP - SEQ, HIDDEN), jnp.float32)])
    gat_flat = _make_kernel()(tok_idx.reshape(-1), out_idx.reshape(-1),
                              token_table)
    return _make_tc_add()(gat_flat, combined)

# --- scband reference (transcript-rebuilt; emitter-appended) ---
"""Pipeline reference for scband-video-token-embeddings-53712861004303 (READ-ONLY COPY).

The authoritative reference and input builder live on the scoring server;
editing this copy changes nothing except your own understanding.
"""

import jax, jax.numpy as jnp
import numpy as np

VOCAB = 8192 + 1
HIDDEN = 1024
FRAME_NUM = 10
TOKENS_PER_FRAME = 65
BATCH = 128
SEQ = FRAME_NUM * TOKENS_PER_FRAME  # 650


def setup_inputs(seed: int = 0) -> dict:
    key = jax.random.key(seed)
    k1, k2, k3, k4 = jax.random.split(key, 4)
    tokens = jax.random.randint(k1, (BATCH, SEQ), 0, VOCAB, dtype=jnp.int64)
    token_table = jax.random.normal(k2, (VOCAB, HIDDEN), dtype=jnp.float32) * 0.02
    pos_table = jax.random.normal(k3, (TOKENS_PER_FRAME, HIDDEN), dtype=jnp.float32) * 0.02
    frame_table = jax.random.normal(k4, (FRAME_NUM, HIDDEN), dtype=jnp.float32) * 0.02
    return {"tokens": tokens, "token_table": token_table, "pos_table": pos_table, "frame_table": frame_table}


def reference(tokens, token_table, pos_table, frame_table):
    # embeddings = token_embedding(tokens)
    embeddings = jnp.take(token_table, tokens, axis=0)  # [B, S, H]
    # video_pos_ids = list(range(tokens_per_frame)) * frame_num
    video_pos_ids = jnp.tile(jnp.arange(TOKENS_PER_FRAME, dtype=jnp.int32), FRAME_NUM)[None, :]  # [1, 650]
    position_embeddings = jnp.take(pos_table, video_pos_ids, axis=0)  # [1, 650, H]
    # frame_ids = [i for i in range(frame_num) for j in range(tokens_per_frame)]
    frame_ids = jnp.repeat(jnp.arange(FRAME_NUM, dtype=jnp.int32), TOKENS_PER_FRAME)[None, :]  # [1, 650]
    position_embeddings = position_embeddings + jnp.take(frame_table, frame_ids, axis=0)
    embeddings = embeddings + position_embeddings[:, : embeddings.shape[1]]
    return embeddings

if __name__ == "__main__":
    import jax
    _d = setup_inputs()
    print(jax.jit(kernel)(*tuple(_d.values())))

</pallas_src>

<mosaic_0001>
#map = affine_map<(d0, d1) -> (0)>
#map1 = affine_map<(d0, d1) -> (0, 0)>
module attributes {stable_mosaic.version = 14 : i64} {
  func.func @_sc_body(%arg0: i32, %arg1: i32, %arg2: memref<83968xi32, #tpu.memory_space<hbm>>, %arg3: memref<83968xi32, #tpu.memory_space<hbm>>, %arg4: memref<8193x1024xf32, #tpu.memory_space<hbm>>, %arg5: memref<83968x1024xf32, #tpu.memory_space<hbm>>, %arg6: memref<2624xi32, #tpu.memory_space<vmem>>, %arg7: memref<2624xi32, #tpu.memory_space<vmem>>, %arg8: memref<32x1024xf32, #tpu.memory_space<vmem>>, %arg9: memref<32x1024xf32, #tpu.memory_space<vmem>>, %arg10: memref<!tpu.dma_semaphore, #tpu.memory_space<semaphore_mem>>, %arg11: memref<!tpu.dma_semaphore, #tpu.memory_space<semaphore_mem>>, %arg12: memref<!tpu.dma_semaphore, #tpu.memory_space<semaphore_mem>>, %arg13: memref<!tpu.dma_semaphore, #tpu.memory_space<semaphore_mem>>) attributes {dimension_semantics = [#tpu.dimension_semantics<core_parallel>, #tpu.dimension_semantics<subcore_parallel>], iteration_bounds = array<i64: 2, 16>, scalar_prefetch = 0 : i64, scratch_operands = 8 : i64, tpu.core_type = #tpu.core_type<sc_vector_subcore>, window_params = [{transform_indices = #map}, {transform_indices = #map}, {transform_indices = #map1}, {transform_indices = #map1}]} {
    %mul3A = arith.constant 2 : i32
    %mul3A_0 = arith.muli %arg1, %mul3A : i32
    %add3A = arith.addi %mul3A_0, %arg0 : i32
    %mul3A_1 = arith.constant 164 : i32
    %mul3A_2 = arith.muli %add3A, %mul3A_1 : i32
    %jit3A = arith.constant 128 : i32
    %div3A = arith.divsi %mul3A_2, %jit3A : i32
    %sign3A = arith.constant 0 : i32
    %sign3A_3 = arith.cmpi sgt, %mul3A_2, %sign3A : i32
    %sign3A_4 = arith.extui %sign3A_3 : i1 to i32
    %sign3A_5 = arith.constant 0 : i32
    %sign3A_6 = arith.cmpi slt, %mul3A_2, %sign3A_5 : i32
    %sign3A_7 = arith.extui %sign3A_6 : i1 to i32
    %sign3A_8 = arith.subi %sign3A_4, %sign3A_7 : i32
    %sign3A_9 = arith.constant 0 : i32
    %sign3A_10 = arith.cmpi sgt, %jit3A, %sign3A_9 : i32
    %sign3A_11 = arith.extui %sign3A_10 : i1 to i32
    %sign3A_12 = arith.constant 0 : i32
    %sign3A_13 = arith.cmpi slt, %jit3A, %sign3A_12 : i32
    %sign3A_14 = arith.extui %sign3A_13 : i1 to i32
    %sign3A_15 = arith.subi %sign3A_11, %sign3A_14 : i32
    %ne3A = arith.cmpi ne, %sign3A_8, %sign3A_15 : i32
    %rem3A = arith.remsi %mul3A_2, %jit3A : i32
    %ne3A_16 = arith.constant 0 : i32
    %ne3A_17 = arith.cmpi ne, %rem3A, %ne3A_16 : i32
    %and3A = arith.andi %ne3A, %ne3A_17 : i1
    %sub3A = arith.constant 1 : i32
    %sub3A_18 = arith.subi %div3A, %sub3A : i32
    %select_n3A = arith.select %and3A, %sub3A_18, %div3A : i32
    %mul3A_19 = arith.constant 16 : i32
    %mul3A_20 = arith.muli %mul3A_2, %mul3A_19 : i32
    "tpu.region"() ({
      %run_scoped3A = tpu.sem_alloc : memref<!tpu.dma_semaphore, #tpu.memory_space<semaphore_mem>>
      %dma_start3A_47 = tpu.memref_slice %arg2[%mul3A_20] : memref<83968xi32, #tpu.memory_space<hbm>> -> memref<2624xi32, #tpu.memory_space<hbm>>
      %dma_start3A_48 = tpu.memref_slice %arg2[%mul3A_20] : memref<83968xi32, #tpu.memory_space<hbm>> -> memref<2624xi32, #tpu.memory_space<hbm>>
      tpu.enqueue_dma source(%dma_start3A_48 : memref<2624xi32, #tpu.memory_space<hbm>>) target(%arg6 : memref<2624xi32, #tpu.memory_space<vmem>>) target_semaphore(%run_scoped3A : memref<!tpu.dma_semaphore, #tpu.memory_space<semaphore_mem>>)
      %dma_wait3A_49 = tpu.memref_slice %arg2[%mul3A_20] : memref<83968xi32, #tpu.memory_space<hbm>> -> memref<2624xi32, #tpu.memory_space<hbm>>
      %dma_wait3A_50 = tpu.memref_slice %arg2[%mul3A_20] : memref<83968xi32, #tpu.memory_space<hbm>> -> memref<2624xi32, #tpu.memory_space<hbm>>
      tpu.wait_dma2 semaphore(%run_scoped3A : memref<!tpu.dma_semaphore, #tpu.memory_space<semaphore_mem>>) src(%dma_wait3A_50 : memref<2624xi32, #tpu.memory_space<hbm>>) dst(%arg6 : memref<2624xi32, #tpu.memory_space<vmem>>)
      tpu.yield
    }) : () -> ()
    %mul3A_21 = arith.constant 16 : i32
    %mul3A_22 = arith.muli %mul3A_2, %mul3A_21 : i32
    "tpu.region"() ({
      %run_scoped3A = tpu.sem_alloc : memref<!tpu.dma_semaphore, #tpu.memory_space<semaphore_mem>>
      %dma_start3A_47 = tpu.memref_slice %arg3[%mul3A_22] : memref<83968xi32, #tpu.memory_space<hbm>> -> memref<2624xi32, #tpu.memory_space<hbm>>
      %dma_start3A_48 = tpu.memref_slice %arg3[%mul3A_22] : memref<83968xi32, #tpu.memory_space<hbm>> -> memref<2624xi32, #tpu.memory_space<hbm>>
      tpu.enqueue_dma source(%dma_start3A_48 : memref<2624xi32, #tpu.memory_space<hbm>>) target(%arg7 : memref<2624xi32, #tpu.memory_space<vmem>>) target_semaphore(%run_scoped3A : memref<!tpu.dma_semaphore, #tpu.memory_space<semaphore_mem>>)
      %dma_wait3A_49 = tpu.memref_slice %arg3[%mul3A_22] : memref<83968xi32, #tpu.memory_space<hbm>> -> memref<2624xi32, #tpu.memory_space<hbm>>
      %dma_wait3A_50 = tpu.memref_slice %arg3[%mul3A_22] : memref<83968xi32, #tpu.memory_space<hbm>> -> memref<2624xi32, #tpu.memory_space<hbm>>
      tpu.wait_dma2 semaphore(%run_scoped3A : memref<!tpu.dma_semaphore, #tpu.memory_space<semaphore_mem>>) src(%dma_wait3A_50 : memref<2624xi32, #tpu.memory_space<hbm>>) dst(%arg7 : memref<2624xi32, #tpu.memory_space<vmem>>)
      tpu.yield
    }) : () -> ()
    %dma_start3A = arith.constant 0 : i32
    %dma_start3A_23 = tpu.memref_slice %arg6[%dma_start3A] : memref<2624xi32, #tpu.memory_space<vmem>> -> memref<32xi32, #tpu.memory_space<vmem>>
    %dma_start3A_24 = arith.constant 0 : i32
    %dma_start3A_25 = arith.constant 0 : i32
    %dma_start3A_26 = tpu.memref_slice %arg4[%dma_start3A_24, %dma_start3A_25] : memref<8193x1024xf32, #tpu.memory_space<hbm>> -> memref<8193x1024xf32, #tpu.memory_space<hbm>>
    tpu.enqueue_indirect_dma source(%dma_start3A_26 : memref<8193x1024xf32, #tpu.memory_space<hbm>>) target(%arg8 : memref<32x1024xf32, #tpu.memory_space<vmem>>) offsets(%dma_start3A_23 : memref<32xi32, #tpu.memory_space<vmem>>) semaphore(%arg10 : memref<!tpu.dma_semaphore, #tpu.memory_space<semaphore_mem>>)
    %dma_start3A_27 = arith.constant 32 : i32
    %dma_start3A_28 = tpu.memref_slice %arg6[%dma_start3A_27] : memref<2624xi32, #tpu.memory_space<vmem>> -> memref<32xi32, #tpu.memory_space<vmem>>
    %dma_start3A_29 = arith.constant 0 : i32
    %dma_start3A_30 = arith.constant 0 : i32
    %dma_start3A_31 = tpu.memref_slice %arg4[%dma_start3A_29, %dma_start3A_30] : memref<8193x1024xf32, #tpu.memory_space<hbm>> -> memref<8193x1024xf32, #tpu.memory_space<hbm>>
    tpu.enqueue_indirect_dma source(%dma_start3A_31 : memref<8193x1024xf32, #tpu.memory_space<hbm>>) target(%arg9 : memref<32x1024xf32, #tpu.memory_space<vmem>>) offsets(%dma_start3A_28 : memref<32xi32, #tpu.memory_space<vmem>>) semaphore(%arg11 : memref<!tpu.dma_semaphore, #tpu.memory_space<semaphore_mem>>)
    %scan3A = arith.constant 0 : i32
    %scan3A_32 = arith.constant 0 : i32
    %scan3A_33 = arith.constant 41 : i32
    %scan3A_34 = arith.addi %scan3A_32, %scan3A_33 : i32
    %scan3A_35 = arith.constant 1 : i32
    %scan3A_36 = scf.for %scan3A_47 = %scan3A_32 to %scan3A_34 step %scan3A_35 iter_args(%scan3A_48 = %scan3A) -> (i32)  : i32 {
      %mul3A_49 = arith.constant 2 : i32
      %mul3A_50 = arith.muli %scan3A_47, %mul3A_49 : i32
      %add3A_51 = arith.constant 0 : i32
      %add3A_52 = arith.addi %mul3A_50, %add3A_51 : i32
      %mul3A_53 = arith.constant 2 : i32
      %mul3A_54 = arith.muli %add3A_52, %mul3A_53 : i32
      %mul3A_55 = arith.constant 16 : i32
      %mul3A_56 = arith.muli %mul3A_54, %mul3A_55 : i32
      %dma_wait3A_57 = tpu.memref_slice %arg6[%mul3A_56] : memref<2624xi32, #tpu.memory_space<vmem>> -> memref<32xi32, #tpu.memory_space<vmem>>
      %dma_wait3A_58 = arith.constant 0 : i32
      %dma_wait3A_59 = arith.constant 0 : i32
      %dma_wait3A_60 = tpu.memref_slice %arg4[%dma_wait3A_58, %dma_wait3A_59] : memref<8193x1024xf32, #tpu.memory_space<hbm>> -> memref<8193x1024xf32, #tpu.memory_space<hbm>>
      tpu.wait_indirect_dma semaphore(%arg10 : memref<!tpu.dma_semaphore, #tpu.memory_space<semaphore_mem>>) src(%dma_wait3A_60 : memref<8193x1024xf32, #tpu.memory_space<hbm>>) dst(%arg8 : memref<32x1024xf32, #tpu.memory_space<vmem>>)
      %mul3A_61 = arith.constant 2 : i32
      %mul3A_62 = arith.muli %add3A_52, %mul3A_61 : i32
      %mul3A_63 = arith.constant 16 : i32
      %mul3A_64 = arith.muli %mul3A_62, %mul3A_63 : i32
      %dma_start3A_65 = tpu.memref_slice %arg7[%mul3A_64] : memref<2624xi32, #tpu.memory_space<vmem>> -> memref<32xi32, #tpu.memory_space<vmem>>
      %dma_start3A_66 = arith.constant 0 : i32
      %dma_start3A_67 = arith.constant 0 : i32
      %dma_start3A_68 = tpu.memref_slice %arg5[%dma_start3A_66, %dma_start3A_67] : memref<83968x1024xf32, #tpu.memory_space<hbm>> -> memref<83968x1024xf32, #tpu.memory_space<hbm>>
      tpu.enqueue_indirect_dma source(%arg8 : memref<32x1024xf32, #tpu.memory_space<vmem>>) target(%dma_start3A_68 : memref<83968x1024xf32, #tpu.memory_space<hbm>>) offsets(%dma_start3A_65 : memref<32xi32, #tpu.memory_space<vmem>>) semaphore(%arg12 : memref<!tpu.dma_semaphore, #tpu.memory_space<semaphore_mem>>)
      %mul3A_69 = arith.constant 2 : i32
      %mul3A_70 = arith.muli %scan3A_47, %mul3A_69 : i32
      %add3A_71 = arith.constant 1 : i32
      %add3A_72 = arith.addi %mul3A_70, %add3A_71 : i32
      %mul3A_73 = arith.constant 2 : i32
      %mul3A_74 = arith.muli %add3A_72, %mul3A_73 : i32
      %mul3A_75 = arith.constant 16 : i32
      %mul3A_76 = arith.muli %mul3A_74, %mul3A_75 : i32
      %dma_wait3A_77 = tpu.memref_slice %arg6[%mul3A_76] : memref<2624xi32, #tpu.memory_space<vmem>> -> memref<32xi32, #tpu.memory_space<vmem>>
      %dma_wait3A_78 = arith.constant 0 : i32
      %dma_wait3A_79 = arith.constant 0 : i32
      %dma_wait3A_80 = tpu.memref_slice %arg4[%dma_wait3A_78, %dma_wait3A_79] : memref<8193x1024xf32, #tpu.memory_space<hbm>> -> memref<8193x1024xf32, #tpu.memory_space<hbm>>
      tpu.wait_indirect_dma semaphore(%arg11 : memref<!tpu.dma_semaphore, #tpu.memory_space<semaphore_mem>>) src(%dma_wait3A_80 : memref<8193x1024xf32, #tpu.memory_space<hbm>>) dst(%arg9 : memref<32x1024xf32, #tpu.memory_space<vmem>>)
      %mul3A_81 = arith.constant 2 : i32
      %mul3A_82 = arith.muli %add3A_72, %mul3A_81 : i32
      %mul3A_83 = arith.constant 16 : i32
      %mul3A_84 = arith.muli %mul3A_82, %mul3A_83 : i32
      %dma_start3A_85 = tpu.memref_slice %arg7[%mul3A_84] : memref<2624xi32, #tpu.memory_space<vmem>> -> memref<32xi32, #tpu.memory_space<vmem>>
      %dma_start3A_86 = arith.constant 0 : i32
      %dma_start3A_87 = arith.constant 0 : i32
      %dma_start3A_88 = tpu.memref_slice %arg5[%dma_start3A_86, %dma_start3A_87] : memref<83968x1024xf32, #tpu.memory_space<hbm>> -> memref<83968x1024xf32, #tpu.memory_space<hbm>>
      tpu.enqueue_indirect_dma source(%arg9 : memref<32x1024xf32, #tpu.memory_space<vmem>>) target(%dma_start3A_88 : memref<83968x1024xf32, #tpu.memory_space<hbm>>) offsets(%dma_start3A_85 : memref<32xi32, #tpu.memory_space<vmem>>) semaphore(%arg13 : memref<!tpu.dma_semaphore, #tpu.memory_space<semaphore_mem>>)
      %mul3A_89 = arith.constant 2 : i32
      %mul3A_90 = arith.muli %scan3A_47, %mul3A_89 : i32
      %add3A_91 = arith.constant 0 : i32
      %add3A_92 = arith.addi %mul3A_90, %add3A_91 : i32
      %add3A_93 = arith.constant 2 : i32
      %add3A_94 = arith.addi %add3A_92, %add3A_93 : i32
      %lt3A = arith.constant 82 : i32
      %lt3A_95 = arith.cmpi slt, %add3A_94, %lt3A : i32
      %convert_element_type3A = arith.extui %lt3A_95 : i1 to i32
      %cond3A = arith.constant 0 : i32
      %cond3A_96 = arith.cmpi ne, %convert_element_type3A, %cond3A : i32
      scf.if %cond3A_96 {
        %mul3A_109 = arith.constant 2 : i32
        %mul3A_110 = arith.muli %add3A_92, %mul3A_109 : i32
        %mul3A_111 = arith.constant 16 : i32
        %mul3A_112 = arith.muli %mul3A_110, %mul3A_111 : i32
        %dma_wait3A_113 = tpu.memref_slice %arg7[%mul3A_112] : memref<2624xi32, #tpu.memory_space<vmem>> -> memref<32xi32, #tpu.memory_space<vmem>>
        %dma_wait3A_114 = arith.constant 0 : i32
        %dma_wait3A_115 = arith.constant 0 : i32
        %dma_wait3A_116 = tpu.memref_slice %arg5[%dma_wait3A_114, %dma_wait3A_115] : memref<83968x1024xf32, #tpu.memory_space<hbm>> -> memref<83968x1024xf32, #tpu.memory_space<hbm>>
        tpu.wait_indirect_dma semaphore(%arg12 : memref<!tpu.dma_semaphore, #tpu.memory_space<semaphore_mem>>) src(%arg8 : memref<32x1024xf32, #tpu.memory_space<vmem>>) dst(%dma_wait3A_116 : memref<83968x1024xf32, #tpu.memory_space<hbm>>)
        %add3A_117 = arith.constant 2 : i32
        %add3A_118 = arith.addi %add3A_92, %add3A_117 : i32
        %mul3A_119 = arith.constant 2 : i32
        %mul3A_120 = arith.muli %add3A_118, %mul3A_119 : i32
        %mul3A_121 = arith.constant 16 : i32
        %mul3A_122 = arith.muli %mul3A_120, %mul3A_121 : i32
        %dma_start3A_123 = tpu.memref_slice %arg6[%mul3A_122] : memref<2624xi32, #tpu.memory_space<vmem>> -> memref<32xi32, #tpu.memory_space<vmem>>
        %dma_start3A_124 = arith.constant 0 : i32
        %dma_start3A_125 = arith.constant 0 : i32
        %dma_start3A_126 = tpu.memref_slice %arg4[%dma_start3A_124, %dma_start3A_125] : memref<8193x1024xf32, #tpu.memory_space<hbm>> -> memref<8193x1024xf32, #tpu.memory_space<hbm>>
        tpu.enqueue_indirect_dma source(%dma_start3A_126 : memref<8193x1024xf32, #tpu.memory_space<hbm>>) target(%arg8 : memref<32x1024xf32, #tpu.memory_space<vmem>>) offsets(%dma_start3A_123 : memref<32xi32, #tpu.memory_space<vmem>>) semaphore(%arg10 : memref<!tpu.dma_semaphore, #tpu.memory_space<semaphore_mem>>)
      } else {
      }
      %mul3A_97 = arith.constant 2 : i32
      %mul3A_98 = arith.muli %scan3A_47, %mul3A_97 : i32
      %add3A_99 = arith.constant 1 : i32
      %add3A_100 = arith.addi %mul3A_98, %add3A_99 : i32
      %add3A_101 = arith.constant 2 : i32
      %add3A_102 = arith.addi %add3A_100, %add3A_101 : i32
      %lt3A_103 = arith.constant 82 : i32
      %lt3A_104 = arith.cmpi slt, %add3A_102, %lt3A_103 : i32
      %convert_element_type3A_105 = arith.extui %lt3A_104 : i1 to i32
      %cond3A_106 = arith.constant 0 : i32
      %cond3A_107 = arith.cmpi ne, %convert_element_type3A_105, %cond3A_106 : i32
      scf.if %cond3A_107 {
        %mul3A_109 = arith.constant 2 : i32
        %mul3A_110 = arith.muli %add3A_100, %mul3A_109 : i32
        %mul3A_111 = arith.constant 16 : i32
        %mul3A_112 = arith.muli %mul3A_110, %mul3A_111 : i32
        %dma_wait3A_113 = tpu.memref_slice %arg7[%mul3A_112] : memref<2624xi32, #tpu.memory_space<vmem>> -> memref<32xi32, #tpu.memory_space<vmem>>
        %dma_wait3A_114 = arith.constant 0 : i32
        %dma_wait3A_115 = arith.constant 0 : i32
        %dma_wait3A_116 = tpu.memref_slice %arg5[%dma_wait3A_114, %dma_wait3A_115] : memref<83968x1024xf32, #tpu.memory_space<hbm>> -> memref<83968x1024xf32, #tpu.memory_space<hbm>>
        tpu.wait_indirect_dma semaphore(%arg13 : memref<!tpu.dma_semaphore, #tpu.memory_space<semaphore_mem>>) src(%arg9 : memref<32x1024xf32, #tpu.memory_space<vmem>>) dst(%dma_wait3A_116 : memref<83968x1024xf32, #tpu.memory_space<hbm>>)
        %add3A_117 = arith.constant 2 : i32
        %add3A_118 = arith.addi %add3A_100, %add3A_117 : i32
        %mul3A_119 = arith.constant 2 : i32
        %mul3A_120 = arith.muli %add3A_118, %mul3A_119 : i32
        %mul3A_121 = arith.constant 16 : i32
        %mul3A_122 = arith.muli %mul3A_120, %mul3A_121 : i32
        %dma_start3A_123 = tpu.memref_slice %arg6[%mul3A_122] : memref<2624xi32, #tpu.memory_space<vmem>> -> memref<32xi32, #tpu.memory_space<vmem>>
        %dma_start3A_124 = arith.constant 0 : i32
        %dma_start3A_125 = arith.constant 0 : i32
        %dma_start3A_126 = tpu.memref_slice %arg4[%dma_start3A_124, %dma_start3A_125] : memref<8193x1024xf32, #tpu.memory_space<hbm>> -> memref<8193x1024xf32, #tpu.memory_space<hbm>>
        tpu.enqueue_indirect_dma source(%dma_start3A_126 : memref<8193x1024xf32, #tpu.memory_space<hbm>>) target(%arg9 : memref<32x1024xf32, #tpu.memory_space<vmem>>) offsets(%dma_start3A_123 : memref<32xi32, #tpu.memory_space<vmem>>) semaphore(%arg11 : memref<!tpu.dma_semaphore, #tpu.memory_space<semaphore_mem>>)
      } else {
      }
      %scan3A_108 = arith.constant 0 : i32
      scf.yield %scan3A_108 : i32
    }
    %scan3A_37 = arith.constant 41 : i32
    %dma_wait3A = arith.constant 2560 : i32
    %dma_wait3A_38 = tpu.memref_slice %arg7[%dma_wait3A] : memref<2624xi32, #tpu.memory_space<vmem>> -> memref<32xi32, #tpu.memory_space<vmem>>
    %dma_wait3A_39 = arith.constant 0 : i32
    %dma_wait3A_40 = arith.constant 0 : i32
    %dma_wait3A_41 = tpu.memref_slice %arg5[%dma_wait3A_39, %dma_wait3A_40] : memref<83968x1024xf32, #tpu.memory_space<hbm>> -> memref<83968x1024xf32, #tpu.memory_space<hbm>>
    tpu.wait_indirect_dma semaphore(%arg12 : memref<!tpu.dma_semaphore, #tpu.memory_space<semaphore_mem>>) src(%arg8 : memref<32x1024xf32, #tpu.memory_space<vmem>>) dst(%dma_wait3A_41 : memref<83968x1024xf32, #tpu.memory_space<hbm>>)
    %dma_wait3A_42 = arith.constant 2592 : i32
    %dma_wait3A_43 = tpu.memref_slice %arg7[%dma_wait3A_42] : memref<2624xi32, #tpu.memory_space<vmem>> -> memref<32xi32, #tpu.memory_space<vmem>>
    %dma_wait3A_44 = arith.constant 0 : i32
    %dma_wait3A_45 = arith.constant 0 : i32
    %dma_wait3A_46 = tpu.memref_slice %arg5[%dma_wait3A_44, %dma_wait3A_45] : memref<83968x1024xf32, #tpu.memory_space<hbm>> -> memref<83968x1024xf32, #tpu.memory_space<hbm>>
    tpu.wait_indirect_dma semaphore(%arg13 : memref<!tpu.dma_semaphore, #tpu.memory_space<semaphore_mem>>) src(%arg9 : memref<32x1024xf32, #tpu.memory_space<vmem>>) dst(%dma_wait3A_46 : memref<83968x1024xf32, #tpu.memory_space<hbm>>)
    return
  }
}

module attributes {stable_mosaic.version = 14 : i64} {
  func.func @_tc_add_body(%arg0: i32, %arg1: memref<656x1024xf32, #tpu.memory_space<vmem>>, %arg2: memref<656x1024xf32, #tpu.memory_space<vmem>>, %arg3: memref<1x650x1024xf32, #tpu.memory_space<vmem>>) attributes {dimension_semantics = [#tpu.dimension_semantics<arbitrary>], iteration_bounds = array<i64: 128>, scalar_prefetch = 0 : i64, scratch_operands = 0 : i64, tpu.core_type = #tpu.core_type<tc>, window_params = [{transform_indices = @transform_0, window_bounds = array<i64: 656, 1024>}, {pipeline_mode = #tpu.pipeline_mode<synchronous>, transform_indices = @transform_1, window_bounds = array<i64: 656, 1024>}, {transform_indices = @transform_2, window_bounds = array<i64: 1, 650, 1024>}]} {
    %get3A = arith.constant 0 : index
    %get3A_0 = arith.constant 0 : index
    %get3A_1 = vector.load %arg1[%get3A, %get3A_0] : memref<656x1024xf32, #tpu.memory_space<vmem>>, vector<656x1024xf32>
    %get3A_2 = arith.constant 0 : index
    %get3A_3 = arith.constant 0 : index
    %get3A_4 = vector.load %arg2[%get3A_2, %get3A_3] : memref<656x1024xf32, #tpu.memory_space<vmem>>, vector<656x1024xf32>
    %add3A = arith.addf %get3A_1, %get3A_4 : vector<656x1024xf32>
    %slice3A = vector.extract_strided_slice %add3A {offsets = [0, 0], sizes = [650, 1024], strides = [1, 1]} : vector<656x1024xf32> to vector<650x1024xf32>
    %broadcast_in_dim3A = vector.shape_cast %slice3A : vector<650x1024xf32> to vector<1x650x1024xf32>
    %swap3A = arith.constant 0 : index
    %swap3A_5 = arith.constant 0 : index
    %swap3A_6 = arith.constant 0 : index
    %swap3A_7 = vector.load %arg3[%swap3A, %swap3A_5, %swap3A_6] : memref<1x650x1024xf32, #tpu.memory_space<vmem>>, vector<1x650x1024xf32>
    tpu.vector_store %arg3[%swap3A, %swap3A_5, %swap3A_6], %broadcast_in_dim3A {strides = array<i32>} : memref<1x650x1024xf32, #tpu.memory_space<vmem>>, vector<1x650x1024xf32>,
    return
  }
  func.func @transform_0(%arg0: i32) -> (i32, i32) {
    %c0_i32 = arith.constant 0 : i32
    %c0_i32_0 = arith.constant 0 : i32
    return %arg0, %c0_i32 : i32, i32
  }
  func.func @transform_1(%arg0: i32) -> (i32, i32) {
    %c0_i32 = arith.constant 0 : i32
    %c0_i32_0 = arith.constant 0 : i32
    %c0_i32_1 = arith.constant 0 : i32
    return %c0_i32, %c0_i32_0 : i32, i32
  }
  func.func @transform_2(%arg0: i32) -> (i32, i32, i32) {
    %c0_i32 = arith.constant 0 : i32
    %c0_i32_0 = arith.constant 0 : i32
    %c0_i32_1 = arith.constant 0 : i32
    return %arg0, %c0_i32, %c0_i32_0 : i32, i32, i32
  }
}

</mosaic_0001>

<sc_bundles>
// kernel: kernel.4.cloned.1.call-start
scs
__scs_entry_jumppad:
0x0: {  	(pc) =	sbr.rel $0x88, $3  }
0x1: {  	(tag) =	ssettag $0x0;
	lr =	simm.s32 $0x1  }
0x2: {  	[smem:$0x3F9D] =	sst lr;
	_ =	strace $0xD0000000  }
0x3: {  	_ = 	snop  }
0x4: {  	_ = 	snop  }
0x5: {  	_ = 	snop  }
0x6: {  	_ = 	snop  }
0x7: {  	_ = 	snop  }
__scs_overlays_trampoline_lowered:
0x8: {  	[smem:$0x3FAC] =	sst s0  }
0x9: {  	[smem:$0x3FAD] =	sst s1  }
0xa: {  	[smem:$0x3FAE] =	sst s2  }
0xb: {  	[smem:$0x3FAF] =	sst s3  }
0xc: {  	[smem:$0x3FB0] =	sst s4  }
0xd: {  	[smem:$0x3FB1] =	sst s5  }
0xe: {  	[smem:$0x3FB2] =	sst s6  }
0xf: {  	[smem:$0x3FB3] =	sst s7  }
0x10: {  	[smem:$0x3FB4] =	sst s8  }
0x11: {  	[smem:$0x3FB5] =	sst s9;
	s0 =	simm.s32 @!p0 $0x0  }
0x12: {  	s1 =	sld [smem:$0x3F9B];
	s0 =	simm.s32 @p0 $0x1  }
0x13: {  	[smem:$0x3FB6] =	sst s0;
	s0 =	simm.s32 @!p1 $0x0  }
0x14: {  	s2 =	sld [smem:$0x3F9A];
	s0 =	simm.s32 @p1 $0x1  }
0x15: {  	[smem:$0x3FB7] =	sst s0;
	s0 =	simm.s32 @!p2 $0x0  }
0x16: {  	s3 =	sld [smem:$0x3FDB];
	s0 =	simm.s32 @p2 $0x1  }
0x17: {  	s4 =	simm.s32 $0x1BF5;
	[smem:$0x3FB9] =	sst s0  }
0x18: {  	s0 =	sld [smem:$0x3F9C];
	_ =	swait.ge [sflag:s4], $0x0  }
0x19: {  	s7 =	sld [smem:$0x3F9D]  }
0x1a: {  	s8 =	sadd.s32 $0xFFFFE003, lr  }
0x1b: {  	s9 =	sadd.s32 $0xFFFFFEF7, lr;
	s5 =	simm.s32 $0xFFFFFFFF;
	p2 =	slt.u32 s8, $0xFFFFF086  }
0x1c: {  	p1 =	slt.u32 s9, $0xF7A;
	s5 =	simm.s32 @!p2 $0x0  }
0x1d: {  	s5 =	simm.s32 @p1 $0x1;
	p0 =	seq.s32 s7, s2  }
0x1e: {  	s7 =	smul.u32 @!p0 $0xF7A, s2;
	p2 =	seq.s32 @!p0 s5, $0x0  }
0x1f: {  	s9 =	smul.u32 $0xF7A, s1;
	s8 =	simm.s32 @!p0 $0x1BF5;
	p2 =	por !p2, p0  }
0x20: {  	[sflag:s8] =	ssyncset.s32 @!p0 $0xFFFFF086;
	s6 =	sadd.s32 @!p0 s3, s7;
	s7 =	simm.s32 @!p0 $0x108  }
0x21: {  	s3 =	sadd.s32 s3, s9;
	s6 =	sadd.s32 @!p0 $0x88, s6;
	s7 =	simm.s32 @p2 $0x1082  }
0x22: {  	[simem:s7], [sflag:s8] =	dma.local @!p0 [hbm:s6], $0xF7A  }
0x23: {  	s9 =	sor.u32 $0xD0000000, s2;
	s6 =	simm.s32 $0x108;
	_ =	swait.ge @!p0 [sflag:s8], $0x0  }
0x24: {  	s3 =	sadd.s32 $0x88, s3;
	s6 =	simm.s32 @!p1 $0x1082;
	[sflag:s4] =	ssyncset.s32 $0xFFFFF086  }
0x25: {  	[simem:s6], [sflag:s4] =	dma.local [hbm:s3], $0xF7A  }
0x26: {  	[smem:$0x3F9D] =	sst s1;
	(tag) =	ssettag s2;
	_ =	strace s9  }
0x27: {  	s1 =	sld [smem:$0x3FAD]  }
0x28: {  	s2 =	sld [smem:$0x3FAE]  }
0x29: {  	s4 =	sld [smem:$0x3FB0]  }
0x2a: {  	p0 =	seq.s32 s5, $0x0;
	s5 =	sld [smem:$0x3FB1]  }
0x2b: {  	s6 =	sld [smem:$0x3FB2]  }
0x2c: {  	s7 =	sld [smem:$0x3FB3]  }
0x2d: {  	s3 =	simm.s32 $0x108;
	s8 =	sld [smem:$0x3FB4]  }
0x2e: {  	s3 =	simm.s32 @!p0 $0x1082;
	s9 =	sld [smem:$0x3FB5]  }
0x2f: {  	lr =	sadd.s32 s0, s3;
	s0 =	sld [smem:$0x3FAC]  }
0x30: {  	s3 =	sld [smem:$0x3FAF]  }
0x31: {  	[smem:$0x3FB8] =	sst s10  }
0x32: {  	s10 =	sld [smem:$0x3FB6];
	_ =	sdelay $0x3  }
0x33: {  	p0 =	seq.s32 s10, $0x1;
	s10 =	sld [smem:$0x3FB8];
	_ =	sdelay $0x3  }
0x34: {  	[smem:$0x3FB8] =	sst s10  }
0x35: {  	s10 =	sld [smem:$0x3FB7];
	_ =	sdelay $0x3  }
0x36: {  	p1 =	seq.s32 s10, $0x1;
	s10 =	sld [smem:$0x3FB8];
	_ =	sdelay $0x3  }
0x37: {  	[smem:$0x3FB8] =	sst s10  }
0x38: {  	s10 =	sld [smem:$0x3FB9]  }
0x39: {  	_ = 	snop;
	(pc) =	sbr.ind lr, $3  }
0x3a: {  	_ = 	snop  }
0x3b: {  	_ = 	snop  }
0x3c: {  	p2 =	seq.s32 s10, $0x1;
	s10 =	sld [smem:$0x3FB8]  }
0x3d: {  	_ =	shalt  }
0x3e: {  	_ =	shalt  }
0x3f: {  	_ =	shalt  }
0x40: {  	_ =	shalt  }
0x41: {  	_ =	shalt  }
0x42: {  	_ =	shalt  }
0x43: {  	_ =	shalt  }
0x44: {  	_ =	shalt  }
0x45: {  	_ =	shalt  }
0x46: {  	_ =	shalt  }
0x47: {  	_ =	shalt  }
0x48: {  	_ =	shalt  }
0x49: {  	_ =	shalt  }
0x4a: {  	_ =	shalt  }
0x4b: {  	_ =	shalt  }
0x4c: {  	_ =	shalt  }
0x4d: {  	_ =	shalt  }
0x4e: {  	_ =	shalt  }
0x4f: {  	_ =	shalt  }
0x50: {  	_ =	shalt  }
0x51: {  	_ =	shalt  }
0x52: {  	_ =	shalt  }
0x53: {  	_ =	shalt  }
0x54: {  	_ =	shalt  }
0x55: {  	_ =	shalt  }
0x56: {  	_ =	shalt  }
0x57: {  	_ =	shalt  }
0x58: {  	_ =	shalt  }
0x59: {  	_ =	shalt  }
0x5a: {  	_ =	shalt  }
0x5b: {  	_ =	shalt  }
0x5c: {  	_ =	shalt  }
0x5d: {  	_ =	shalt  }
0x5e: {  	_ =	shalt  }
0x5f: {  	_ =	shalt  }
0x60: {  	_ =	shalt  }
0x61: {  	_ =	shalt  }
0x62: {  	_ =	shalt  }
0x63: {  	_ =	shalt  }
0x64: {  	_ =	shalt  }
0x65: {  	_ =	shalt  }
0x66: {  	_ =	shalt  }
0x67: {  	_ =	shalt  }
0x68: {  	_ =	shalt  }
0x69: {  	_ =	shalt  }
0x6a: {  	_ =	shalt  }
0x6b: {  	_ =	shalt  }
0x6c: {  	_ =	shalt  }
0x6d: {  	_ =	shalt  }
0x6e: {  	_ =	shalt  }
0x6f: {  	_ =	shalt  }
0x70: {  	_ =	shalt  }
0x71: {  	_ =	shalt  }
0x72: {  	_ =	shalt  }
0x73: {  	_ =	shalt  }
0x74: {  	_ =	shalt  }
0x75: {  	_ =	shalt  }
0x76: {  	_ =	shalt  }
0x77: {  	_ =	shalt  }
0x78: {  	_ =	shalt  }
0x79: {  	_ =	shalt  }
0x7a: {  	_ =	shalt  }
0x7b: {  	_ =	shalt  }
0x7c: {  	_ =	shalt  }
0x7d: {  	_ =	shalt  }
0x7e: {  	_ =	shalt  }
0x7f: {  	_ =	shalt  }
0x80: {  	_ =	shalt  }
0x81: {  	_ =	shalt  }
0x82: {  	_ =	shalt  }
0x83: {  	_ =	shalt  }
0x84: {  	_ =	shalt  }
0x85: {  	_ =	shalt  }
0x86: {  	_ =	shalt  }
0x87: {  	_ =	shalt  }
.Lfunc_end0:
.L_simem_size_0:
called_computation_lowered:
.L_overlay_start_0:
0x88: {  	s2 =	sld [smem:$0x3FD9]  }
0x89: {  	s3 =	sld [smem:$0x3FFE];
	_ =	sdelay $0x1  }
0x8a: {  	s1 =	srdreg.scid  }
0x8b: {  	s0 =	sand.u32 $0x1, s1  }
0x8c: {  	s17 =	sshll.u32 s0, $0xA;
	s2 =	sadd.s32 s3, s2  }
0x8d: {  	s2 =	sadd.s32 s2, s17  }
0x8e: {  	[smem:$0x3FC4] =	sst s2  }
0x8f: {  	_ = 	snop  }
0x90: {  	s2 =	sld [smem:$0x3FC8]  }
0x91: {  	s18 =	sld [smem:$0x3FD0];
	(tm) =	ssettm $0x1  }
0x92: {  	s4 =	sld [smem:$0x3FFB];
	_ =	sdelay $0x3  }
0x93: {  	_ =	strace s4  }
0x94: {  	s4 =	sld [smem:$0x3FFC];
	_ =	sdelay $0x3  }
0x95: {  	_ =	strace s4  }
0x96: {  	s4 =	sld [smem:$0x3FFD];
	_ =	sdelay $0x3  }
0x97: {  	_ =	strace s4  }
0x98: {  	_ =	strace $0x8FFFFFFF  }
0x99: {  	s19 =	sld [smem:$0x3FDB];
	_ =	sdelay $0x1  }
0x9a: {  	s5 =	simm.s32 $_scs_section_size  }
0x9b: {  	s6 =	simm.s32 $_size__tile_overlayer_lowered;
	s7 =	simm.s32 $_tile_overlayer_lowered  }
0x9c: {  	s22 =	simm.s32 $0x1BFF;
	s21 =	sshll.u32 s7, $0x1;
	s4 =	sadd.s32 s5, s19  }
0x9d: {  	s8 =	simm.s32 $0x0;
	s20 =	sshll.u32 s6, $0x1;
	s6 =	sadd.s32 s21, s4  }
0x9e: {  	[timem:s8], [sflag:s22] =	dma.local [hbm:s6], s20  }
0x9f: {  	_ =	swait.ge [sflag:s22], s20  }
0xa0: {  	s5 =	ssub.s32 $0x0, s20;
	[sflag:s22] =	ssyncset.done $0x0  }
0xa1: {  	[sflag:s22] =	ssyncadd.s32 s5;
	_ =	sdelay $0x1  }
0xa2: {  	s23 =	simm.s32 $0x1B8B  }
0xa3: {  	_ =	swait.ge [sflag:s23], $0x1  }
0xa4: {  	[sflag:s23] =	ssyncset.done $0x0  }
0xa5: {  	s25 =	simm.s32 $0x1B8E;
	s24 =	sld [smem:$0x3FFE];
	[sflag:s23] =	ssyncadd.s32 $0xFFFFFFFF  }
0xa6: {  	s26 =	simm.s32 $execute0_lowered;
	[smem:$0x3FD2] =	sst s25  }
0xa7: {  	s6 =	sshll.u32 s26, $0x1;
	_ =	strace $0x80000046;
	[dreg:$0x1] =	wrdreg $0xFFFFFFFF  }
0xa8: {  	s28 =	simm.s32 $_size_execute0_lowered;
	s4 =	sadd.s32 s4, s6;
	[dreg:$0x0] =	wrdreg $0x0  }
0xa9: {  	s6 =	sshll.u32 s28, $0x1;
	[dreg:$0x2] =	wrdreg s4  }
0xaa: {  	[dreg:$0x3] =	wrdreg s6  }
0xab: {  	[dreg:$0x4] =	wrdreg $0xC0  }
0xac: {  	_ =	task [dreg:s8], $0x5FFFF  }
0xad: {  	[dreg:$0x1] =	wrdreg $0xFFFFFFFF  }
0xae: {  	[dreg:$0x0] =	wrdreg $0x60  }
0xaf: {  	[dreg:$0x2] =	wrdreg s18  }
0xb0: {  	[dreg:$0x3] =	wrdreg s24  }
0xb1: {  	[dreg:$0x4] =	wrdreg s2  }
0xb2: {  	[dreg:$0x5] =	wrdreg $0x9  }
0xb3: {  	_ =	task.clear_ibuf [dreg:s8], $0x6FFFF;
	_ =	strace $0x90000046  }
0xb4: {  	s29 =	simm.s32 $0x9;
	_ =	strace $0x80000048  }
0xb5: {  	_ =	swait.ge [sflag:s29], $0x1  }
0xb6: {  	[sflag:s29] =	ssyncadd.s32 $0xFFFFFFFF  }
0xb7: {  	_ =	strace $0x90000048  }
0xb8: {  	_ =	sfence  }
0xb9: {  	s30 =	sld [smem:$0x0];
	_ =	sdelay $0x2  }
0xba: {  	s31 =	sshll.u32 s1, $0xD;
	s1 =	sshrl.u32 s1, $0x2  }
0xbb: {  	s3 =	sand.u32 $0x4000, s31;
	s1 =	sadd.s32 s1, s30  }
0xbc: {  	s0 =	sor.u32 s3, s0;
	s1 =	sshll.u32 s1, $0x11  }
0xbd: {  	s0 =	sor.u32 s1, s0  }
0xbe: {  	s0 =	sadd.s32 $0x8F2B, s0  }
0xbf: {  	[sflag:s0] =	ssyncadd.remote.s32 $0x1  }
0xc0: {  	_ =	sfence.sel $0xFFFF  }
0xc1: {  	[dreg:$0x0] =	wrdreg $0xFFFFFFFF;
	(pc) =	sbr.abs _section_cstart, $3  }
0xc2: {  	[dreg:$0x1] =	wrdreg $0xFFFFFFFF  }
0xc3: {  	_ =	task.clear_ibuf [dreg:s8], $0x2FFFF;
	_ =	strace $0x9FFFFFFF  }
0xc4: {  	(tm) =	ssettm $0x7FFFFFFF  }
0xc5: {  	_ =	shalt  }
tec
execute0_lowered:
.L_overlay_start_1:
0x0: {  	(tag) =	ssettag $0x1  }
0x1: {  	s0 =	rddreg [dreg:$0x0]  }
0x2: {  	s1 =	rddreg [dreg:$0x1];
	s3 =	srdreg.scid  }
0x3: {  	s5 =	stileid.u32;
	s2 =	rddreg [dreg:$0x2]  }
0x4: {  	s28 =	simm.s32 $0x2;
	s29 =	simm.s32 $0x3;
	s30 =	simm.s32 $0x4  }
0x5: {  	s15 =	simm.s32 $0x9D00;
	s13 =	simm.s32 $0xB500;
	s14 =	simm.s32 $0xBD00  }
0x6: {  	s16 =	simm.s32 $0xC500;
	s17 =	simm.s32 $0xCD00;
	s18 =	simm.s32 $0xD500  }
0x7: {  	s19 =	simm.s32 $0xDD00;
	s20 =	simm.s32 $0xE500;
	s21 =	simm.s32 $0xED00  }
0x8: {  	s22 =	simm.s32 $0xF500;
	s23 =	simm.s32 $0xFD00;
	s24 =	simm.s32 $0x10500  }
0x9: {  	s25 =	simm.s32 $0x10D00;
	s4 =	sand.u32 $0x1, s3;
	s5 =	sshll.u32 s5, $0x1  }
0xa: {  	s3 =	simm.s32 $0x0;
	s9 =	sadd.s32 $0x300, s2;
	s10 =	sadd.s32 $0x3500, s1  }
0xb: {  	s11 =	sadd.s32 $0x3600, s1;
	s12 =	sadd.s32 $0x3700, s1;
	s5 =	sor.u32 s4, s5  }
0xc: {  	[smem:$0x7FF] =	sst s3;
	s6 =	ssub.s32 $0x2, s4;
	s4 =	sadd.s32 $0x3400, s1  }
0xd: {  	s5 =	smul.u32 $0x148, s5;
	_ =	strace $0x80000047;
	s7 =	sshrl.u32 s6, $0x1  }
.Ltmp0:
0xe: {  	s6 =	ssub.s32 s6, s7;
	s7 =	sadd.s32 $0x100, s2;
	(pc) =	sbr.rel .LBB2_1-.Ltmp0, $4  }
0xf: {  	s8 =	sadd.s32 s5, s1;
	s0 =	sadd.s32 s0, s5;
	s31 =	smax.u32 s6, $0x1  }
0x10: {  	v2 =	vlaneseq.u32;
	s5 =	simm.s32 $0xA500;
	s6 =	simm.s32 $0xAD00;
	[dreg:$0x4] =	wrdreg s0  }
0x11: {  	vm0 =	vmmov $0xffff;
	v1 =	vshrl.u32 v2, $0x3;
	s26 =	sadd.s32 $0xA00, s8;
	s8 =	sadd.s32 $0x200, s2;
	[dreg:$0x6] =	wrdreg s31  }
0x12: {  	v0 =	vand.u32 $0x7, v2;
	v2 =	vor.u32 $0x8, v2;
	v1 =	vmul.u32 $0x8, v1;
	s0 =	simm.s32 $0x0;
	[dreg:$0x5] =	wrdreg s26;
	s26 =	simm.s32 $0x1  }
.LBB2_4:
0x13: {  	_ =	swait.ge [sflag:s30], $0x8000  }
0x14: {  	s0 =	rddreg [dreg:$0x7]  }
0x15: {  	s1 =	rddreg [dreg:$0x6];
	s0 =	sadd.s32 $0x1, s0  }
0x16: {  	p0 =	sne.s32 s0, s1  }
.Ltmp1:
0x17: {  	_ = 	snop;
	(pc) =	sbr.rel @!p0 .LBB2_5-.Ltmp1, $3  }
0x18: {  	_ =	sdelay $0x1  }
0x19: {  	[sflag:s30] =	ssyncset.done $0x0  }
0x1a: {  	[sflag:s30] =	ssyncadd.s32 $0xFFFF8000  }
.LBB2_1:
0x1b: {  	[dreg:$0x7] =	wrdreg s0  }
0x1c: {  	s1 =	rddreg [dreg:$0x4];
	s31 =	simm.s32 $0x5  }
0x1d: {  	[tilespmem:s3], [sflag:$0x5] =	stream.linear.gather [hbm4b:s1+s3], $0xA40, $0x38;
	[tilespmem:$0x11500] =	vst v63  }
0x1e: {  	_ =	swait.ge [sflag:s31], $0xA40  }
0x1f: {  	[sflag:s31] =	ssyncset.done $0x0  }
0x20: {  	s0 =	simm.s32 $0xA80;
	s1 =	rddreg [dreg:$0x5];
	[sflag:s31] =	ssyncadd.s32 $0xFFFFF5C0  }
0x21: {  	[tilespmem:s0], [sflag:$0x5] =	stream.linear.gather [hbm4b:s1+s3], $0xA40, $0x38;
	[tilespmem:$0x11500] =	vst v63  }
0x22: {  	_ =	swait.ge [sflag:s31], $0xA40  }
0x23: {  	[sflag:s31] =	ssyncset.done $0x0  }
0x24: {  	[sflag:s31] =	ssyncadd.s32 $0xFFFFF5C0  }
0x25: {  	v3 =	vld [tilespmem:$0x0];
	_ =	sdelay $0x4  }
0x26: {  	v4 =	vshll.u32 v3, $0x3  }
0x27: {  	v3 =	vand.u32 $0x7, v3;
	v4 =	vand.u32 $0xFFFFFFC0, v4  }
0x28: {  	v3 =	vor.u32 v3, v4  }
0x29: {  	v4 =	vperm.xlane v3, v0;
	_ =	sdelay $0x1  }
0x2a: {  	v4 =	vadd.s32 v1, v4;
	_ =	sdelay $0x3  }
0x2b: {  	s1 =	simm.s32 $0x1500  }
0x2c: {  	[tilespmem:s1], [sflag:$0x1] =	stream.indirect_vreg.gather [hbm4b:s2+s3], $0x80, v4, vm0, $0xb8;
	[tilespmem:$0x11500] =	vst v63  }
0x2d: {  	v3 =	vperm.xlane v3, v2;
	s1 =	simm.s32 $0x1D00  }
0x2e: {  	[tilespmem:s1], [sflag:$0x1] =	stream.indirect_vreg.gather [hbm4b:s7+s3], $0x80, v4, vm0, $0xb8;
	[tilespmem:$0x11500] =	vst v63  }
0x2f: {  	v3 =	vadd.s32 v1, v3;
	s1 =	simm.s32 $0x2500  }
0x30: {  	[tilespmem:s1], [sflag:$0x1] =	stream.indirect_vreg.gather [hbm4b:s8+s3], $0x80, v4, vm0, $0xb8;
	[tilespmem:$0x11500] =	vst v63  }
0x31: {  	s1 =	simm.s32 $0x2D00  }
0x32: {  	[tilespmem:s1], [sflag:$0x1] =	stream.indirect_vreg.gather [hbm4b:s9+s3], $0x80, v4, vm0, $0xb8;
	[tilespmem:$0x11500] =	vst v63  }
0x33: {  	s1 =	simm.s32 $0x3500  }
0x34: {  	[tilespmem:s1], [sflag:$0x1] =	stream.indirect_vreg.gather [hbm4b:s2+s3], $0x80, v3, vm0, $0xb8;
	[tilespmem:$0x11500] =	vst v63  }
0x35: {  	s1 =	simm.s32 $0x3D00  }
0x36: {  	[tilespmem:s1], [sflag:$0x1] =	stream.indirect_vreg.gather [hbm4b:s7+s3], $0x80, v3, vm0, $0xb8;
	[tilespmem:$0x11500] =	vst v63  }
0x37: {  	s1 =	simm.s32 $0x4500  }
0x38: {  	[tilespmem:s1], [sflag:$0x1] =	stream.indirect_vreg.gather [hbm4b:s8+s3], $0x80, v3, vm0, $0xb8;
	[tilespmem:$0x11500] =	vst v63  }
0x39: {  	s1 =	simm.s32 $0x4D00  }
0x3a: {  	[tilespmem:s1], [sflag:$0x1] =	stream.indirect_vreg.gather [hbm4b:s9+s3], $0x80, v3, vm0, $0xb8;
	[tilespmem:$0x11500] =	vst v63  }
0x3b: {  	v3 =	vld [tilespmem:$0x10];
	_ =	sdelay $0x4  }
0x3c: {  	v61 =	vshll.u32 v3, $0x3  }
0x3d: {  	v3 =	vand.u32 $0x7, v3;
	v4 =	vand.u32 $0xFFFFFFC0, v61  }
0x3e: {  	v3 =	vor.u32 v3, v4  }
0x3f: {  	v4 =	vperm.xlane v3, v0;
	_ =	sdelay $0x1  }
0x40: {  	v4 =	vadd.s32 v1, v4;
	_ =	sdelay $0x3  }
0x41: {  	s1 =	simm.s32 $0x5500  }
0x42: {  	[tilespmem:s1], [sflag:$0x1] =	stream.indirect_vreg.gather [hbm4b:s2+s3], $0x80, v4, vm0, $0xb8;
	[tilespmem:$0x11500] =	vst v63  }
0x43: {  	v3 =	vperm.xlane v3, v2;
	s1 =	simm.s32 $0x5D00  }
0x44: {  	[tilespmem:s1], [sflag:$0x1] =	stream.indirect_vreg.gather [hbm4b:s7+s3], $0x80, v4, vm0, $0xb8;
	[tilespmem:$0x11500] =	vst v63  }
0x45: {  	v3 =	vadd.s32 v1, v3;
	s1 =	simm.s32 $0x6500  }
0x46: {  	[tilespmem:s1], [sflag:$0x1] =	stream.indirect_vreg.gather [hbm4b:s8+s3], $0x80, v4, vm0, $0xb8;
	[tilespmem:$0x11500] =	vst v63  }
0x47: {  	s1 =	simm.s32 $0x6D00  }
0x48: {  	[tilespmem:s1], [sflag:$0x1] =	stream.indirect_vreg.gather [hbm4b:s9+s3], $0x80, v4, vm0, $0xb8;
	[tilespmem:$0x11500] =	vst v63  }
0x49: {  	s1 =	simm.s32 $0x7500  }
0x4a: {  	[tilespmem:s1], [sflag:$0x1] =	stream.indirect_vreg.gather [hbm4b:s2+s3], $0x80, v3, vm0, $0xb8;
	[tilespmem:$0x11500] =	vst v63  }
0x4b: {  	s1 =	simm.s32 $0x7D00  }
0x4c: {  	[tilespmem:s1], [sflag:$0x1] =	stream.indirect_vreg.gather [hbm4b:s7+s3], $0x80, v3, vm0, $0xb8;
	[tilespmem:$0x11500] =	vst v63  }
0x4d: {  	s1 =	simm.s32 $0x8500  }
0x4e: {  	[tilespmem:s1], [sflag:$0x1] =	stream.indirect_vreg.gather [hbm4b:s8+s3], $0x80, v3, vm0, $0xb8;
	[tilespmem:$0x11500] =	vst v63  }
0x4f: {  	s1 =	simm.s32 $0x8D00  }
0x50: {  	[tilespmem:s1], [sflag:$0x1] =	stream.indirect_vreg.gather [hbm4b:s9+s3], $0x80, v3, vm0, $0xb8;
	[tilespmem:$0x11500] =	vst v63  }
0x51: {  	v3 =	vld [tilespmem:$0x20];
	_ =	sdelay $0x4  }
0x52: {  	v62 =	vshll.u32 v3, $0x3  }
0x53: {  	v3 =	vand.u32 $0x7, v3;
	v4 =	vand.u32 $0xFFFFFFC0, v62  }
0x54: {  	v3 =	vor.u32 v3, v4  }
0x55: {  	v4 =	vperm.xlane v3, v0;
	_ =	sdelay $0x1  }
0x56: {  	v4 =	vadd.s32 v1, v4;
	_ =	sdelay $0x3  }
0x57: {  	s1 =	simm.s32 $0x9500  }
0x58: {  	[tilespmem:s1], [sflag:$0x2] =	stream.indirect_vreg.gather [hbm4b:s2+s3], $0x80, v4, vm0, $0xb8;
	[tilespmem:$0x11500] =	vst v63  }
0x59: {  	v3 =	vperm.xlane v3, v2  }
0x5a: {  	[tilespmem:s15], [sflag:$0x2] =	stream.indirect_vreg.gather [hbm4b:s7+s3], $0x80, v4, vm0, $0xb8;
	[tilespmem:$0x11500] =	vst v63  }
0x5b: {  	v3 =	vadd.s32 v1, v3  }
0x5c: {  	[tilespmem:s5], [sflag:$0x2] =	stream.indirect_vreg.gather [hbm4b:s8+s3], $0x80, v4, vm0, $0xb8;
	[tilespmem:$0x11500] =	vst v63  }
0x5d: {  	_ = 	snop  }
0x5e: {  	[tilespmem:s6], [sflag:$0x2] =	stream.indirect_vreg.gather [hbm4b:s9+s3], $0x80, v4, vm0, $0xb8;
	[tilespmem:$0x11500] =	vst v63  }
0x5f: {  	_ = 	snop  }
0x60: {  	[tilespmem:s13], [sflag:$0x2] =	stream.indirect_vreg.gather [hbm4b:s2+s3], $0x80, v3, vm0, $0xb8;
	[tilespmem:$0x11500] =	vst v63  }
0x61: {  	_ = 	snop  }
0x62: {  	[tilespmem:s14], [sflag:$0x2] =	stream.indirect_vreg.gather [hbm4b:s7+s3], $0x80, v3, vm0, $0xb8;
	[tilespmem:$0x11500] =	vst v63  }
0x63: {  	_ = 	snop  }
0x64: {  	[tilespmem:s16], [sflag:$0x2] =	stream.indirect_vreg.gather [hbm4b:s8+s3], $0x80, v3, vm0, $0xb8;
	[tilespmem:$0x11500] =	vst v63  }
0x65: {  	_ = 	snop  }
0x66: {  	[tilespmem:s17], [sflag:$0x2] =	stream.indirect_vreg.gather [hbm4b:s9+s3], $0x80, v3, vm0, $0xb8;
	[tilespmem:$0x11500] =	vst v63  }
0x67: {  	v3 =	vld [tilespmem:$0x30];
	_ =	sdelay $0x4  }
0x68: {  	v63 =	vshll.u32 v3, $0x3  }
0x69: {  	v3 =	vand.u32 $0x7, v3;
	v4 =	vand.u32 $0xFFFFFFC0, v63  }
0x6a: {  	v3 =	vor.u32 v3, v4  }
0x6b: {  	v4 =	vperm.xlane v3, v0;
	_ =	sdelay $0x1  }
0x6c: {  	v4 =	vadd.s32 v1, v4;
	_ =	sdelay $0x4  }
0x6d: {  	[tilespmem:s18], [sflag:$0x2] =	stream.indirect_vreg.gather [hbm4b:s2+s3], $0x80, v4, vm0, $0xb8;
	[tilespmem:$0x11500] =	vst v63  }
0x6e: {  	v3 =	vperm.xlane v3, v2  }
0x6f: {  	[tilespmem:s19], [sflag:$0x2] =	stream.indirect_vreg.gather [hbm4b:s7+s3], $0x80, v4, vm0, $0xb8;
	[tilespmem:$0x11500] =	vst v63  }
0x70: {  	v3 =	vadd.s32 v1, v3  }
0x71: {  	[tilespmem:s20], [sflag:$0x2] =	stream.indirect_vreg.gather [hbm4b:s8+s3], $0x80, v4, vm0, $0xb8;
	[tilespmem:$0x11500] =	vst v63  }
0x72: {  	_ = 	snop  }
0x73: {  	[tilespmem:s21], [sflag:$0x2] =	stream.indirect_vreg.gather [hbm4b:s9+s3], $0x80, v4, vm0, $0xb8;
	[tilespmem:$0x11500] =	vst v63  }
0x74: {  	_ = 	snop  }
0x75: {  	[tilespmem:s22], [sflag:$0x2] =	stream.indirect_vreg.gather [hbm4b:s2+s3], $0x80, v3, vm0, $0xb8;
	[tilespmem:$0x11500] =	vst v63  }
0x76: {  	_ = 	snop  }
0x77: {  	[tilespmem:s23], [sflag:$0x2] =	stream.indirect_vreg.gather [hbm4b:s7+s3], $0x80, v3, vm0, $0xb8;
	[tilespmem:$0x11500] =	vst v63  }
0x78: {  	_ = 	snop  }
0x79: {  	[tilespmem:s24], [sflag:$0x2] =	stream.indirect_vreg.gather [hbm4b:s8+s3], $0x80, v3, vm0, $0xb8;
	[tilespmem:$0x11500] =	vst v63  }
0x7a: {  	s31 =	simm.s32 $0x0  }
0x7b: {  	[tilespmem:s25], [sflag:$0x2] =	stream.indirect_vreg.gather [hbm4b:s9+s3], $0x80, v3, vm0, $0xb8;
	[tilespmem:$0x11500] =	vst v63  }
.LBB2_2:
0x7c: {  	_ =	swait.ge [sflag:s26], $0x8000  }
0x7d: {  	[sflag:s26] =	ssyncset.done $0x0  }
0x7e: {  	s1 =	sshra.s32 s31, $0x2;
	[sflag:s26] =	ssyncadd.s32 $0xFFFF8000  }
0x7f: {  	v3 =	vld [tilespmem:s1+$0xA80];
	_ =	sdelay $0x4  }
0x80: {  	v4 =	vshll.u32 v3, $0x3  }
0x81: {  	v3 =	vand.u32 $0x7, v3;
	v4 =	vand.u32 $0xFFFFFFC0, v4  }
0x82: {  	v3 =	vor.u32 v3, v4  }
0x83: {  	v4 =	vperm.xlane v3, v0;
	_ =	sdelay $0x1  }
0x84: {  	v4 =	vadd.s32 v1, v4;
	_ =	sdelay $0x3  }
0x85: {  	s0 =	simm.s32 $0x1500  }
0x86: {  	[hbm4b:s4+s3] =	stream.indirect_vreg.scatter [tilespmem:s0], [sflag:$0x3], $0x80, v4, vm0, $0xb8;
	[tilespmem:$0x11500] =	vst v63  }
0x87: {  	v3 =	vperm.xlane v3, v2;
	s0 =	simm.s32 $0x1D00  }
0x88: {  	[hbm4b:s10+s3] =	stream.indirect_vreg.scatter [tilespmem:s0], [sflag:$0x3], $0x80, v4, vm0, $0xb8;
	[tilespmem:$0x11500] =	vst v63  }
0x89: {  	v3 =	vadd.s32 v1, v3;
	s0 =	simm.s32 $0x2500  }
0x8a: {  	[hbm4b:s11+s3] =	stream.indirect_vreg.scatter [tilespmem:s0], [sflag:$0x3], $0x80, v4, vm0, $0xb8;
	[tilespmem:$0x11500] =	vst v63  }
0x8b: {  	s0 =	simm.s32 $0x2D00  }
0x8c: {  	[hbm4b:s12+s3] =	stream.indirect_vreg.scatter [tilespmem:s0], [sflag:$0x3], $0x80, v4, vm0, $0xb8;
	[tilespmem:$0x11500] =	vst v63  }
0x8d: {  	s0 =	simm.s32 $0x3500  }
0x8e: {  	[hbm4b:s4+s3] =	stream.indirect_vreg.scatter [tilespmem:s0], [sflag:$0x3], $0x80, v3, vm0, $0xb8;
	[tilespmem:$0x11500] =	vst v63  }
0x8f: {  	s0 =	simm.s32 $0x3D00  }
0x90: {  	[hbm4b:s10+s3] =	stream.indirect_vreg.scatter [tilespmem:s0], [sflag:$0x3], $0x80, v3, vm0, $0xb8;
	[tilespmem:$0x11500] =	vst v63  }
0x91: {  	s0 =	simm.s32 $0x4500  }
0x92: {  	[hbm4b:s11+s3] =	stream.indirect_vreg.scatter [tilespmem:s0], [sflag:$0x3], $0x80, v3, vm0, $0xb8;
	[tilespmem:$0x11500] =	vst v63  }
0x93: {  	s0 =	simm.s32 $0x4D00  }
0x94: {  	[hbm4b:s12+s3] =	stream.indirect_vreg.scatter [tilespmem:s0], [sflag:$0x3], $0x80, v3, vm0, $0xb8;
	[tilespmem:$0x11500] =	vst v63  }
0x95: {  	v3 =	vld [tilespmem:s1+$0xA90];
	_ =	sdelay $0x4  }
0x96: {  	v61 =	vshll.u32 v3, $0x3  }
0x97: {  	v3 =	vand.u32 $0x7, v3;
	v4 =	vand.u32 $0xFFFFFFC0, v61  }
0x98: {  	v3 =	vor.u32 v3, v4  }
0x99: {  	v4 =	vperm.xlane v3, v0;
	_ =	sdelay $0x1  }
0x9a: {  	v4 =	vadd.s32 v1, v4;
	_ =	sdelay $0x3  }
0x9b: {  	s0 =	simm.s32 $0x5500  }
0x9c: {  	[hbm4b:s4+s3] =	stream.indirect_vreg.scatter [tilespmem:s0], [sflag:$0x3], $0x80, v4, vm0, $0xb8;
	[tilespmem:$0x11500] =	vst v63  }
0x9d: {  	v3 =	vperm.xlane v3, v2;
	s0 =	simm.s32 $0x5D00  }
0x9e: {  	[hbm4b:s10+s3] =	stream.indirect_vreg.scatter [tilespmem:s0], [sflag:$0x3], $0x80, v4, vm0, $0xb8;
	[tilespmem:$0x11500] =	vst v63  }
0x9f: {  	v3 =	vadd.s32 v1, v3;
	s0 =	simm.s32 $0x6500  }
0xa0: {  	[hbm4b:s11+s3] =	stream.indirect_vreg.scatter [tilespmem:s0], [sflag:$0x3], $0x80, v4, vm0, $0xb8;
	[tilespmem:$0x11500] =	vst v63  }
0xa1: {  	s0 =	simm.s32 $0x6D00  }
0xa2: {  	[hbm4b:s12+s3] =	stream.indirect_vreg.scatter [tilespmem:s0], [sflag:$0x3], $0x80, v4, vm0, $0xb8;
	[tilespmem:$0x11500] =	vst v63  }
0xa3: {  	s0 =	simm.s32 $0x7500  }
0xa4: {  	[hbm4b:s4+s3] =	stream.indirect_vreg.scatter [tilespmem:s0], [sflag:$0x3], $0x80, v3, vm0, $0xb8;
	[tilespmem:$0x11500] =	vst v63  }
0xa5: {  	s0 =	simm.s32 $0x7D00  }
0xa6: {  	[hbm4b:s10+s3] =	stream.indirect_vreg.scatter [tilespmem:s0], [sflag:$0x3], $0x80, v3, vm0, $0xb8;
	[tilespmem:$0x11500] =	vst v63  }
0xa7: {  	s0 =	simm.s32 $0x8500  }
0xa8: {  	[hbm4b:s11+s3] =	stream.indirect_vreg.scatter [tilespmem:s0], [sflag:$0x3], $0x80, v3, vm0, $0xb8;
	[tilespmem:$0x11500] =	vst v63  }
0xa9: {  	s0 =	simm.s32 $0x8D00  }
0xaa: {  	[hbm4b:s12+s3] =	stream.indirect_vreg.scatter [tilespmem:s0], [sflag:$0x3], $0x80, v3, vm0, $0xb8;
	[tilespmem:$0x11500] =	vst v63  }
0xab: {  	_ =	swait.ge [sflag:s28], $0x8000  }
0xac: {  	[sflag:s28] =	ssyncset.done $0x0  }
0xad: {  	[sflag:s28] =	ssyncadd.s32 $0xFFFF8000  }
0xae: {  	v3 =	vld [tilespmem:s1+$0xAA0];
	_ =	sdelay $0x4  }
0xaf: {  	v62 =	vshll.u32 v3, $0x3  }
0xb0: {  	v3 =	vand.u32 $0x7, v3;
	v4 =	vand.u32 $0xFFFFFFC0, v62  }
0xb1: {  	v3 =	vor.u32 v3, v4  }
0xb2: {  	v4 =	vperm.xlane v3, v0;
	_ =	sdelay $0x1  }
0xb3: {  	v4 =	vadd.s32 v1, v4;
	_ =	sdelay $0x3  }
0xb4: {  	s0 =	simm.s32 $0x9500  }
0xb5: {  	[hbm4b:s4+s3] =	stream.indirect_vreg.scatter [tilespmem:s0], [sflag:$0x4], $0x80, v4, vm0, $0xb8;
	[tilespmem:$0x11500] =	vst v63  }
0xb6: {  	v3 =	vperm.xlane v3, v2  }
0xb7: {  	[hbm4b:s10+s3] =	stream.indirect_vreg.scatter [tilespmem:s15], [sflag:$0x4], $0x80, v4, vm0, $0xb8;
	[tilespmem:$0x11500] =	vst v63  }
0xb8: {  	v3 =	vadd.s32 v1, v3  }
0xb9: {  	[hbm4b:s11+s3] =	stream.indirect_vreg.scatter [tilespmem:s5], [sflag:$0x4], $0x80, v4, vm0, $0xb8;
	[tilespmem:$0x11500] =	vst v63  }
0xba: {  	_ = 	snop  }
0xbb: {  	[hbm4b:s12+s3] =	stream.indirect_vreg.scatter [tilespmem:s6], [sflag:$0x4], $0x80, v4, vm0, $0xb8;
	[tilespmem:$0x11500] =	vst v63  }
0xbc: {  	_ = 	snop  }
0xbd: {  	[hbm4b:s4+s3] =	stream.indirect_vreg.scatter [tilespmem:s13], [sflag:$0x4], $0x80, v3, vm0, $0xb8;
	[tilespmem:$0x11500] =	vst v63  }
0xbe: {  	_ = 	snop  }
0xbf: {  	[hbm4b:s10+s3] =	stream.indirect_vreg.scatter [tilespmem:s14], [sflag:$0x4], $0x80, v3, vm0, $0xb8;
	[tilespmem:$0x11500] =	vst v63  }
0xc0: {  	_ = 	snop  }
0xc1: {  	[hbm4b:s11+s3] =	stream.indirect_vreg.scatter [tilespmem:s16], [sflag:$0x4], $0x80, v3, vm0, $0xb8;
	[tilespmem:$0x11500] =	vst v63  }
0xc2: {  	_ = 	snop  }
0xc3: {  	[hbm4b:s12+s3] =	stream.indirect_vreg.scatter [tilespmem:s17], [sflag:$0x4], $0x80, v3, vm0, $0xb8;
	[tilespmem:$0x11500] =	vst v63  }
0xc4: {  	v3 =	vld [tilespmem:s1+$0xAB0];
	_ =	sdelay $0x4  }
0xc5: {  	v63 =	vshll.u32 v3, $0x3  }
0xc6: {  	v3 =	vand.u32 $0x7, v3;
	v4 =	vand.u32 $0xFFFFFFC0, v63  }
0xc7: {  	v3 =	vor.u32 v3, v4  }
0xc8: {  	v4 =	vperm.xlane v3, v0;
	_ =	sdelay $0x1  }
0xc9: {  	v4 =	vadd.s32 v1, v4;
	_ =	sdelay $0x4  }
0xca: {  	[hbm4b:s4+s3] =	stream.indirect_vreg.scatter [tilespmem:s18], [sflag:$0x4], $0x80, v4, vm0, $0xb8;
	[tilespmem:$0x11500] =	vst v63  }
0xcb: {  	v3 =	vperm.xlane v3, v2  }
0xcc: {  	[hbm4b:s10+s3] =	stream.indirect_vreg.scatter [tilespmem:s19], [sflag:$0x4], $0x80, v4, vm0, $0xb8;
	[tilespmem:$0x11500] =	vst v63  }
0xcd: {  	v3 =	vadd.s32 v1, v3  }
0xce: {  	[hbm4b:s11+s3] =	stream.indirect_vreg.scatter [tilespmem:s20], [sflag:$0x4], $0x80, v4, vm0, $0xb8;
	[tilespmem:$0x11500] =	vst v63  }
0xcf: {  	_ = 	snop  }
0xd0: {  	[hbm4b:s12+s3] =	stream.indirect_vreg.scatter [tilespmem:s21], [sflag:$0x4], $0x80, v4, vm0, $0xb8;
	[tilespmem:$0x11500] =	vst v63  }
0xd1: {  	_ = 	snop  }
0xd2: {  	[hbm4b:s4+s3] =	stream.indirect_vreg.scatter [tilespmem:s22], [sflag:$0x4], $0x80, v3, vm0, $0xb8;
	[tilespmem:$0x11500] =	vst v63  }
0xd3: {  	_ = 	snop  }
0xd4: {  	[hbm4b:s10+s3] =	stream.indirect_vreg.scatter [tilespmem:s23], [sflag:$0x4], $0x80, v3, vm0, $0xb8;
	[tilespmem:$0x11500] =	vst v63  }
0xd5: {  	p0 =	seq.s32 s31, $0x2800  }
0xd6: {  	[hbm4b:s11+s3] =	stream.indirect_vreg.scatter [tilespmem:s24], [sflag:$0x4], $0x80, v3, vm0, $0xb8;
	[tilespmem:$0x11500] =	vst v63  }
.Ltmp2:
0xd7: {  	_ = 	snop;
	(pc) =	sbr.rel @p0 .LBB2_4-.Ltmp2, $4  }
0xd8: {  	[hbm4b:s12+s3] =	stream.indirect_vreg.scatter [tilespmem:s25], [sflag:$0x4], $0x80, v3, vm0, $0xb8;
	[tilespmem:$0x11500] =	vst v63  }
0xd9: {  	_ =	swait.ge [sflag:s29], $0x8000  }
0xda: {  	[sflag:s29] =	ssyncset.done $0x0  }
0xdb: {  	[sflag:s29] =	ssyncadd.s32 $0xFFFF8000  }
0xdc: {  	v3 =	vld [tilespmem:s1+$0x40];
	_ =	sdelay $0x4  }
0xdd: {  	v4 =	vshll.u32 v3, $0x3  }
0xde: {  	v3 =	vand.u32 $0x7, v3;
	v4 =	vand.u32 $0xFFFFFFC0, v4  }
0xdf: {  	v3 =	vor.u32 v3, v4  }
0xe0: {  	v4 =	vperm.xlane v3, v0;
	_ =	sdelay $0x1  }
0xe1: {  	v4 =	vadd.s32 v1, v4;
	_ =	sdelay $0x3  }
0xe2: {  	s0 =	simm.s32 $0x1500  }
0xe3: {  	[tilespmem:s0], [sflag:$0x1] =	stream.indirect_vreg.gather [hbm4b:s2+s3], $0x80, v4, vm0, $0xb8;
	[tilespmem:$0x11500] =	vst v63  }
0xe4: {  	v3 =	vperm.xlane v3, v2;
	s0 =	simm.s32 $0x1D00  }
0xe5: {  	[tilespmem:s0], [sflag:$0x1] =	stream.indirect_vreg.gather [hbm4b:s7+s3], $0x80, v4, vm0, $0xb8;
	[tilespmem:$0x11500] =	vst v63  }
0xe6: {  	v3 =	vadd.s32 v1, v3;
	s0 =	simm.s32 $0x2500  }
0xe7: {  	[tilespmem:s0], [sflag:$0x1] =	stream.indirect_vreg.gather [hbm4b:s8+s3], $0x80, v4, vm0, $0xb8;
	[tilespmem:$0x11500] =	vst v63  }
0xe8: {  	s0 =	simm.s32 $0x2D00  }
0xe9: {  	[tilespmem:s0], [sflag:$0x1] =	stream.indirect_vreg.gather [hbm4b:s9+s3], $0x80, v4, vm0, $0xb8;
	[tilespmem:$0x11500] =	vst v63  }
0xea: {  	s0 =	simm.s32 $0x3500  }
0xeb: {  	[tilespmem:s0], [sflag:$0x1] =	stream.indirect_vreg.gather [hbm4b:s2+s3], $0x80, v3, vm0, $0xb8;
	[tilespmem:$0x11500] =	vst v63  }
0xec: {  	s0 =	simm.s32 $0x3D00  }
0xed: {  	[tilespmem:s0], [sflag:$0x1] =	stream.indirect_vreg.gather [hbm4b:s7+s3], $0x80, v3, vm0, $0xb8;
	[tilespmem:$0x11500] =	vst v63  }
0xee: {  	s0 =	simm.s32 $0x4500  }
0xef: {  	[tilespmem:s0], [sflag:$0x1] =	stream.indirect_vreg.gather [hbm4b:s8+s3], $0x80, v3, vm0, $0xb8;
	[tilespmem:$0x11500] =	vst v63  }
0xf0: {  	s0 =	simm.s32 $0x4D00  }
0xf1: {  	[tilespmem:s0], [sflag:$0x1] =	stream.indirect_vreg.gather [hbm4b:s9+s3], $0x80, v3, vm0, $0xb8;
	[tilespmem:$0x11500] =	vst v63  }
0xf2: {  	v3 =	vld [tilespmem:s1+$0x50];
	_ =	sdelay $0x4  }
0xf3: {  	v61 =	vshll.u32 v3, $0x3  }
0xf4: {  	v3 =	vand.u32 $0x7, v3;
	v4 =	vand.u32 $0xFFFFFFC0, v61  }
0xf5: {  	v3 =	vor.u32 v3, v4  }
0xf6: {  	v4 =	vperm.xlane v3, v0;
	_ =	sdelay $0x1  }
0xf7: {  	v4 =	vadd.s32 v1, v4;
	_ =	sdelay $0x3  }
0xf8: {  	s0 =	simm.s32 $0x5500  }
0xf9: {  	[tilespmem:s0], [sflag:$0x1] =	stream.indirect_vreg.gather [hbm4b:s2+s3], $0x80, v4, vm0, $0xb8;
	[tilespmem:$0x11500] =	vst v63  }
0xfa: {  	v3 =	vperm.xlane v3, v2;
	s0 =	simm.s32 $0x5D00  }
0xfb: {  	[tilespmem:s0], [sflag:$0x1] =	stream.indirect_vreg.gather [hbm4b:s7+s3], $0x80, v4, vm0, $0xb8;
	[tilespmem:$0x11500] =	vst v63  }
0xfc: {  	v3 =	vadd.s32 v1, v3;
	s0 =	simm.s32 $0x6500  }
0xfd: {  	[tilespmem:s0], [sflag:$0x1] =	stream.indirect_vreg.gather [hbm4b:s8+s3], $0x80, v4, vm0, $0xb8;
	[tilespmem:$0x11500] =	vst v63  }
0xfe: {  	s0 =	simm.s32 $0x6D00  }
0xff: {  	[tilespmem:s0], [sflag:$0x1] =	stream.indirect_vreg.gather [hbm4b:s9+s3], $0x80, v4, vm0, $0xb8;
	[tilespmem:$0x11500] =	vst v63  }
0x100: {  	s0 =	simm.s32 $0x7500  }
0x101: {  	[tilespmem:s0], [sflag:$0x1] =	stream.indirect_vreg.gather [hbm4b:s2+s3], $0x80, v3, vm0, $0xb8;
	[tilespmem:$0x11500] =	vst v63  }
0x102: {  	s0 =	simm.s32 $0x7D00  }
0x103: {  	[tilespmem:s0], [sflag:$0x1] =	stream.indirect_vreg.gather [hbm4b:s7+s3], $0x80, v3, vm0, $0xb8;
	[tilespmem:$0x11500] =	vst v63  }
0x104: {  	s0 =	simm.s32 $0x8500  }
0x105: {  	[tilespmem:s0], [sflag:$0x1] =	stream.indirect_vreg.gather [hbm4b:s8+s3], $0x80, v3, vm0, $0xb8;
	[tilespmem:$0x11500] =	vst v63  }
0x106: {  	s0 =	simm.s32 $0x8D00  }
0x107: {  	[tilespmem:s0], [sflag:$0x1] =	stream.indirect_vreg.gather [hbm4b:s9+s3], $0x80, v3, vm0, $0xb8;
	[tilespmem:$0x11500] =	vst v63  }
0x108: {  	_ =	swait.ge [sflag:s30], $0x8000  }
0x109: {  	[sflag:s30] =	ssyncset.done $0x0  }
0x10a: {  	[sflag:s30] =	ssyncadd.s32 $0xFFFF8000  }
0x10b: {  	v3 =	vld [tilespmem:s1+$0x60];
	_ =	sdelay $0x4  }
0x10c: {  	v62 =	vshll.u32 v3, $0x3  }
0x10d: {  	v3 =	vand.u32 $0x7, v3;
	v4 =	vand.u32 $0xFFFFFFC0, v62  }
0x10e: {  	v3 =	vor.u32 v3, v4  }
0x10f: {  	v4 =	vperm.xlane v3, v0;
	_ =	sdelay $0x1  }
0x110: {  	v4 =	vadd.s32 v1, v4;
	_ =	sdelay $0x3  }
0x111: {  	s0 =	simm.s32 $0x9500  }
0x112: {  	[tilespmem:s0], [sflag:$0x2] =	stream.indirect_vreg.gather [hbm4b:s2+s3], $0x80, v4, vm0, $0xb8;
	[tilespmem:$0x11500] =	vst v63  }
0x113: {  	v3 =	vperm.xlane v3, v2  }
0x114: {  	[tilespmem:s15], [sflag:$0x2] =	stream.indirect_vreg.gather [hbm4b:s7+s3], $0x80, v4, vm0, $0xb8;
	[tilespmem:$0x11500] =	vst v63  }
0x115: {  	v3 =	vadd.s32 v1, v3  }
0x116: {  	[tilespmem:s5], [sflag:$0x2] =	stream.indirect_vreg.gather [hbm4b:s8+s3], $0x80, v4, vm0, $0xb8;
	[tilespmem:$0x11500] =	vst v63  }
0x117: {  	_ = 	snop  }
0x118: {  	[tilespmem:s6], [sflag:$0x2] =	stream.indirect_vreg.gather [hbm4b:s9+s3], $0x80, v4, vm0, $0xb8;
	[tilespmem:$0x11500] =	vst v63  }
0x119: {  	_ = 	snop  }
0x11a: {  	[tilespmem:s13], [sflag:$0x2] =	stream.indirect_vreg.gather [hbm4b:s2+s3], $0x80, v3, vm0, $0xb8;
	[tilespmem:$0x11500] =	vst v63  }
0x11b: {  	_ = 	snop  }
0x11c: {  	[tilespmem:s14], [sflag:$0x2] =	stream.indirect_vreg.gather [hbm4b:s7+s3], $0x80, v3, vm0, $0xb8;
	[tilespmem:$0x11500] =	vst v63  }
0x11d: {  	_ = 	snop  }
0x11e: {  	[tilespmem:s16], [sflag:$0x2] =	stream.indirect_vreg.gather [hbm4b:s8+s3], $0x80, v3, vm0, $0xb8;
	[tilespmem:$0x11500] =	vst v63  }
0x11f: {  	_ = 	snop  }
0x120: {  	[tilespmem:s17], [sflag:$0x2] =	stream.indirect_vreg.gather [hbm4b:s9+s3], $0x80, v3, vm0, $0xb8;
	[tilespmem:$0x11500] =	vst v63  }
0x121: {  	v3 =	vld [tilespmem:s1+$0x70];
	_ =	sdelay $0x4  }
0x122: {  	v63 =	vshll.u32 v3, $0x3  }
0x123: {  	v3 =	vand.u32 $0x7, v3;
	v4 =	vand.u32 $0xFFFFFFC0, v63  }
0x124: {  	v3 =	vor.u32 v3, v4  }
0x125: {  	v4 =	vperm.xlane v3, v0;
	_ =	sdelay $0x1  }
0x126: {  	v4 =	vadd.s32 v1, v4;
	_ =	sdelay $0x4  }
0x127: {  	[tilespmem:s18], [sflag:$0x2] =	stream.indirect_vreg.gather [hbm4b:s2+s3], $0x80, v4, vm0, $0xb8;
	[tilespmem:$0x11500] =	vst v63  }
0x128: {  	v3 =	vperm.xlane v3, v2  }
0x129: {  	[tilespmem:s19], [sflag:$0x2] =	stream.indirect_vreg.gather [hbm4b:s7+s3], $0x80, v4, vm0, $0xb8;
	[tilespmem:$0x11500] =	vst v63  }
0x12a: {  	v3 =	vadd.s32 v1, v3  }
0x12b: {  	[tilespmem:s20], [sflag:$0x2] =	stream.indirect_vreg.gather [hbm4b:s8+s3], $0x80, v4, vm0, $0xb8;
	[tilespmem:$0x11500] =	vst v63  }
0x12c: {  	_ = 	snop  }
0x12d: {  	[tilespmem:s21], [sflag:$0x2] =	stream.indirect_vreg.gather [hbm4b:s9+s3], $0x80, v4, vm0, $0xb8;
	[tilespmem:$0x11500] =	vst v63  }
0x12e: {  	_ = 	snop  }
0x12f: {  	[tilespmem:s22], [sflag:$0x2] =	stream.indirect_vreg.gather [hbm4b:s2+s3], $0x80, v3, vm0, $0xb8;
	[tilespmem:$0x11500] =	vst v63  }
0x130: {  	_ = 	snop  }
0x131: {  	[tilespmem:s23], [sflag:$0x2] =	stream.indirect_vreg.gather [hbm4b:s7+s3], $0x80, v3, vm0, $0xb8;
	[tilespmem:$0x11500] =	vst v63  }
.Ltmp3:
0x132: {  	_ = 	snop;
	(pc) =	sbr.rel .LBB2_2-.Ltmp3, $4  }
0x133: {  	_ = 	snop  }
0x134: {  	[tilespmem:s24], [sflag:$0x2] =	stream.indirect_vreg.gather [hbm4b:s8+s3], $0x80, v3, vm0, $0xb8;
	[tilespmem:$0x11500] =	vst v63  }
0x135: {  	s31 =	sadd.s32 $0x100, s31  }
0x136: {  	[tilespmem:s25], [sflag:$0x2] =	stream.indirect_vreg.gather [hbm4b:s9+s3], $0x80, v3, vm0, $0xb8;
	[tilespmem:$0x11500] =	vst v63  }
.LBB2_5:
0x137: {  	_ =	sfence.sel $0x180000  }
0x138: {  	[bflag:$0x0] =	sbarrier.arrive $0xFFFF  }
0x139: {  	_ =	strace $0x90000047  }
0x13a: {  	s0 =	stileid.u32;
	[bflag:$0x2] =	sbarrier.arrive $0xFFFF  }
0x13b: {  	p0 =	sne.s32 s0, $0x0;
	s0 =	rddreg [dreg:$0x3]  }
0x13c: {  	s0 =	sadd.s32 @!p0 $0x100000, s0  }
0x13d: {  	[sflag:s0] =	ssyncadd.tile.s32 @!p0 $0x1;
	_ =	shalt  }
.Lfunc_end2:
_tile_overlayer_lowered:
.L_overlay_start_2:
0x13e: {  	(tag) =	ssettag $0x2  }
0x13f: {  	s0 =	rddreg [dreg:$0x0];
	s2 =	stileid.u32  }
0x140: {  	s1 =	rddreg [dreg:$0x1];
	p0 =	sne.s32 s2, $0x0  }
0x141: {  	s3 =	rddreg [dreg:$0x2];
	[bflag:$0x3] =	sbarrier.arrive $0xFFFF;
	s2 =	simm.s32 @!p0 $0x1C05  }
0x142: {  	[timem:s3], [sflag:s2] =	dma.local @!p0 [hbm:s0], s1  }
0x143: {  	s0 =	simm.s32 @!p0 $0x5  }
0x144: {  	_ =	swait.ge @!p0 [sflag:s0], s1  }
0x145: {  	s1 =	ssub.s32 @!p0 $0x0, s1;
	[sflag:s0] =	ssyncset.done @!p0 $0x0  }
0x146: {  	[sflag:s0] =	ssyncadd.s32 @!p0 s1  }
0x147: {  	[bflag:$0x3] =	sbarrier.arrive $0xFFFF  }
0x148: {  	_ =	shalt  }

</sc_bundles>
